<compile_context>
chip_gen: v7x
topology: tpu7x:2x2x1
jax: 0.10.2.dev20260603
libtpu: 0.0.44.dev20260713+nightly
codegen_flags: <defaults>
</compile_context>

<pallas_src>
import functools

import jax
import jax.numpy as jnp
from jax.experimental import pallas as pl
from jax.experimental.pallas import tpu as pltpu

N_NODES = 10000
HID = 256
N_LAYERS = 2
ROW_BLK = 2000
N_ROW_BLKS = N_NODES // ROW_BLK
EPS = 1e-5



def _msg_kernel(h_ref, w_ref, b_ref, m_ref):
    h = h_ref[0]
    m_ref[0] = jnp.dot(h, w_ref[0], preferred_element_type=jnp.float32) + b_ref[0]


def _msg_bn_kernel(x_ref, stats_ref, gamma_ref, beta_ref, w_ref, b_ref,
                   h_ref, m_ref):
    x = x_ref[0]
    mu = stats_ref[0, 0:1, :] * (1.0 / N_NODES)
    ex2 = stats_ref[0, 1:2, :] * (1.0 / N_NODES)
    var = ex2 - mu * mu
    rstd = jax.lax.rsqrt(var + EPS)
    h = jnp.tanh((x - mu) * rstd * gamma_ref[0] + beta_ref[0])
    h_ref[0] = h
    m_ref[0] = jnp.dot(h, w_ref[0], preferred_element_type=jnp.float32) + b_ref[0]


def _msg_call(h2, W2, b2):
    return pl.pallas_call(
        _msg_kernel,
        grid=(2, N_ROW_BLKS),
        in_specs=[
            pl.BlockSpec((1, ROW_BLK, HID), lambda t, i: (t, i, 0)),
            pl.BlockSpec((1, HID, HID), lambda t, i: (t, 0, 0)),
            pl.BlockSpec((1, 1, HID), lambda t, i: (t, 0, 0)),
        ],
        out_specs=pl.BlockSpec((1, ROW_BLK, HID), lambda t, i: (t, i, 0)),
        out_shape=jax.ShapeDtypeStruct((2, N_NODES, HID), jnp.float32),
    )(h2, W2, b2)


def _msg_bn_call(x2, stats2, gamma2, beta2, W2, b2):
    return pl.pallas_call(
        _msg_bn_kernel,
        grid=(2, N_ROW_BLKS),
        in_specs=[
            pl.BlockSpec((1, ROW_BLK, HID), lambda t, i: (t, i, 0)),
            pl.BlockSpec((1, 2, HID), lambda t, i: (t, 0, 0)),
            pl.BlockSpec((1, 1, HID), lambda t, i: (t, 0, 0)),
            pl.BlockSpec((1, 1, HID), lambda t, i: (t, 0, 0)),
            pl.BlockSpec((1, HID, HID), lambda t, i: (t, 0, 0)),
            pl.BlockSpec((1, 1, HID), lambda t, i: (t, 0, 0)),
        ],
        out_specs=[
            pl.BlockSpec((1, ROW_BLK, HID), lambda t, i: (t, i, 0)),
            pl.BlockSpec((1, ROW_BLK, HID), lambda t, i: (t, i, 0)),
        ],
        out_shape=[
            jax.ShapeDtypeStruct((2, N_NODES, HID), jnp.float32),
            jax.ShapeDtypeStruct((2, N_NODES, HID), jnp.float32),
        ],
    )(x2, stats2, gamma2, beta2, W2, b2)



def _gru_kernel(a_ref, h_ref, wi_ref, wh_ref, bi_ref, bh_ref,
                hp_ref, stats_ref):
    i = pl.program_id(1)
    a = a_ref[0]
    h = h_ref[0]
    gi = jnp.dot(a, wi_ref[0], preferred_element_type=jnp.float32) + bi_ref[0]
    gh = jnp.dot(h, wh_ref[0], preferred_element_type=jnp.float32) + bh_ref[0]
    r = jax.nn.sigmoid(gi[:, :HID] + gh[:, :HID])
    z = jax.nn.sigmoid(gi[:, HID:2 * HID] + gh[:, HID:2 * HID])
    n = jnp.tanh(gi[:, 2 * HID:] + r * gh[:, 2 * HID:])
    hp = (1.0 - z) * n + z * h
    hp_ref[0] = hp
    s = jnp.sum(hp, axis=0, keepdims=True)
    s2 = jnp.sum(hp * hp, axis=0, keepdims=True)
    blk = jnp.concatenate([s, s2], axis=0)

    @pl.when(i == 0)
    def _():
        stats_ref[0] = blk

    @pl.when(i > 0)
    def _():
        stats_ref[0] += blk


def _gru_call(a2, h2, Wi2, Wh2, bi2, bh2):
    return pl.pallas_call(
        _gru_kernel,
        grid=(2, N_ROW_BLKS),
        in_specs=[
            pl.BlockSpec((1, ROW_BLK, HID), lambda t, i: (t, i, 0)),
            pl.BlockSpec((1, ROW_BLK, HID), lambda t, i: (t, i, 0)),
            pl.BlockSpec((1, HID, 3 * HID), lambda t, i: (t, 0, 0)),
            pl.BlockSpec((1, HID, 3 * HID), lambda t, i: (t, 0, 0)),
            pl.BlockSpec((1, 1, 3 * HID), lambda t, i: (t, 0, 0)),
            pl.BlockSpec((1, 1, 3 * HID), lambda t, i: (t, 0, 0)),
        ],
        out_specs=[
            pl.BlockSpec((1, ROW_BLK, HID), lambda t, i: (t, i, 0)),
            pl.BlockSpec((1, 2, HID), lambda t, i: (t, 0, 0)),
        ],
        out_shape=[
            jax.ShapeDtypeStruct((2, N_NODES, HID), jnp.float32),
            jax.ShapeDtypeStruct((2, 2, HID), jnp.float32),
        ],
    )(a2, h2, Wi2, Wh2, bi2, bh2)



def _bn_kernel(x_ref, stats_ref, gamma_ref, beta_ref, h_ref):
    x = x_ref[0]
    mu = stats_ref[0, 0:1, :] * (1.0 / N_NODES)
    ex2 = stats_ref[0, 1:2, :] * (1.0 / N_NODES)
    var = ex2 - mu * mu
    rstd = jax.lax.rsqrt(var + EPS)
    h_ref[0] = jnp.tanh((x - mu) * rstd * gamma_ref[0] + beta_ref[0])


def _bn_call(x2, stats2, gamma2, beta2):
    return pl.pallas_call(
        _bn_kernel,
        grid=(2, N_ROW_BLKS),
        in_specs=[
            pl.BlockSpec((1, ROW_BLK, HID), lambda t, i: (t, i, 0)),
            pl.BlockSpec((1, 2, HID), lambda t, i: (t, 0, 0)),
            pl.BlockSpec((1, 1, HID), lambda t, i: (t, 0, 0)),
            pl.BlockSpec((1, 1, HID), lambda t, i: (t, 0, 0)),
        ],
        out_specs=pl.BlockSpec((1, ROW_BLK, HID), lambda t, i: (t, i, 0)),
        out_shape=jax.ShapeDtypeStruct((2, N_NODES, HID), jnp.float32),
    )(x2, stats2, gamma2, beta2)



COL_BLK = 2048
N_COL_BLKS = -(-N_NODES // COL_BLK)


def _score_kernel(qr_ref, qi_ref, hr_ref, hi_ref, o_ref):
    d = (((1,), (1,)), ((), ()))
    s = jax.lax.dot_general(qr_ref[...], hr_ref[...], d,
                            preferred_element_type=jnp.float32)
    s += jax.lax.dot_general(qi_ref[...], hi_ref[...], d,
                             preferred_element_type=jnp.float32)
    o_ref[...] = jax.nn.sigmoid(s)


def _score_call(qr, qi, hr, hi, batch):
    return pl.pallas_call(
        _score_kernel,
        grid=(N_COL_BLKS,),
        in_specs=[
            pl.BlockSpec((batch, HID), lambda j: (0, 0)),
            pl.BlockSpec((batch, HID), lambda j: (0, 0)),
            pl.BlockSpec((COL_BLK, HID), lambda j: (j, 0)),
            pl.BlockSpec((COL_BLK, HID), lambda j: (j, 0)),
        ],
        out_specs=pl.BlockSpec((batch, COL_BLK), lambda j: (0, j)),
        out_shape=jax.ShapeDtypeStruct((batch, N_NODES), jnp.float32),
    )(qr, qi, hr, hi)



@jax.jit
def kernel(graph_nodes_idx, edge_index, e1, rel, word_emb, rel_real, rel_img,
           Wmsg_r, bmsg_r, Wi_r, Wh_r, bi_r, bh_r, gamma_r, beta_r,
           Wmsg_i, bmsg_i, Wi_i, Wh_i, bi_i, bh_i, gamma_i, beta_i):
    node_feat = jnp.mean(word_emb[graph_nodes_idx], axis=1)
    src = edge_index[0]
    dst = edge_index[1]

    def stk(xr, xi):
        return jnp.stack([xr, xi], axis=0)

    Wmsg2 = stk(Wmsg_r, Wmsg_i)
    bmsg2 = stk(bmsg_r, bmsg_i)[:, :, None, :]
    Wi2 = stk(Wi_r, Wi_i)
    Wh2 = stk(Wh_r, Wh_i)
    bi2 = stk(bi_r, bi_i)[:, :, None, :]
    bh2 = stk(bh_r, bh_i)[:, :, None, :]
    gamma2 = stk(gamma_r, gamma_i)[:, :, None, :]
    beta2 = stk(beta_r, beta_i)[:, :, None, :]

    h2 = jnp.stack([node_feat, node_feat], axis=0)

    hp2 = None
    stats2 = None
    for l in range(N_LAYERS):
        if l == 0:
            m2 = _msg_call(h2, Wmsg2[:, l], bmsg2[:, l])
        else:
            h2, m2 = _msg_bn_call(hp2, stats2, gamma2[:, l - 1], beta2[:, l - 1],
                                  Wmsg2[:, l], bmsg2[:, l])
        a2 = jnp.zeros_like(m2).at[:, dst].add(m2[:, src])
        hp2, stats2 = _gru_call(a2, h2, Wi2[:, l], Wh2[:, l], bi2[:, l], bh2[:, l])

    h2 = _bn_call(hp2, stats2, gamma2[:, N_LAYERS - 1], beta2[:, N_LAYERS - 1])
    h_r = h2[0]
    h_i = h2[1]

    er = h_r[e1]
    ei = h_i[e1]
    rr = rel_real[rel]
    ri = rel_img[rel]
    qr = er * rr - ei * ri
    qi = ei * rr + er * ri
    batch = e1.shape[0]
    return _score_call(qr, qi, h_r, h_i, batch)

# --- scband reference (transcript-rebuilt; emitter-appended) ---
"""Pipeline reference for scband-graph2-compl-ex-37589553774603 (READ-ONLY COPY).

The authoritative reference and input builder live on the scoring server;
editing this copy changes nothing except your own understanding.
"""

import jax, jax.numpy as jnp
import numpy as np

N_NODES = 10000
N_EDGES = 160000
HID = 256
WORD_VOCAB = 30000
TOK_LEN = 5
N_REL = 500
BATCH = 1024
N_LAYERS = 2


def setup_inputs(seed: int = 0) -> dict:
    key = jax.random.key(seed)
    ks = jax.random.split(key, 32)
    s = 1.0 / np.sqrt(HID)
    inp = {
        'graph_nodes_idx': jax.random.randint(ks[0], (N_NODES, TOK_LEN), 0, WORD_VOCAB),
        'edge_index': jax.random.randint(ks[1], (2, N_EDGES), 0, N_NODES),
        'e1': jax.random.randint(ks[2], (BATCH,), 0, N_NODES),
        'rel': jax.random.randint(ks[3], (BATCH,), 0, N_REL),
        'word_emb': jax.random.normal(ks[4], (WORD_VOCAB, HID), jnp.float32) * 0.02,
        'rel_real': jax.random.normal(ks[5], (N_REL, HID), jnp.float32) * s,
        'rel_img': jax.random.normal(ks[6], (N_REL, HID), jnp.float32) * s,
    }
    # stacked per-layer GGNN + BN params for the real and img towers
    for t, base in (('r', 7), ('i', 16)):
        inp['Wmsg_' + t] = jax.random.normal(ks[base + 0], (N_LAYERS, HID, HID), jnp.float32) * s
        inp['bmsg_' + t] = jnp.zeros((N_LAYERS, HID), jnp.float32)
        inp['Wi_' + t] = jax.random.normal(ks[base + 1], (N_LAYERS, HID, 3 * HID), jnp.float32) * s
        inp['Wh_' + t] = jax.random.normal(ks[base + 2], (N_LAYERS, HID, 3 * HID), jnp.float32) * s
        inp['bi_' + t] = jnp.zeros((N_LAYERS, 3 * HID), jnp.float32)
        inp['bh_' + t] = jnp.zeros((N_LAYERS, 3 * HID), jnp.float32)
        inp['gamma_' + t] = jnp.ones((N_LAYERS, HID), jnp.float32)
        inp['beta_' + t] = jnp.zeros((N_LAYERS, HID), jnp.float32)
    return inp


def _ggnn_layer(h, edge_index, Wmsg, bmsg, Wi, Wh, bi, bh):
    # GGNN with n_steps=1, n_etypes=1: message = linear(h[src]), scatter-add to dst, then GRU cell
    src = edge_index[0]
    dst = edge_index[1]
    m = h @ Wmsg + bmsg
    a = jnp.zeros_like(h).at[dst].add(m[src])
    gi = a @ Wi + bi
    gh = h @ Wh + bh
    r = jax.nn.sigmoid(gi[:, :HID] + gh[:, :HID])
    z = jax.nn.sigmoid(gi[:, HID:2 * HID] + gh[:, HID:2 * HID])
    n = jnp.tanh(gi[:, 2 * HID:] + r * gh[:, 2 * HID:])
    return (1.0 - z) * n + z * h


def _bn(x, gamma, beta, eps=1e-5):
    mu = jnp.mean(x, axis=0, keepdims=True)
    var = jnp.var(x, axis=0, keepdims=True)
    return (x - mu) / jnp.sqrt(var + eps) * gamma + beta


def reference(graph_nodes_idx, edge_index, e1, rel, word_emb, rel_real, rel_img,
              Wmsg_r, bmsg_r, Wi_r, Wh_r, bi_r, bh_r, gamma_r, beta_r,
              Wmsg_i, bmsg_i, Wi_i, Wh_i, bi_i, bh_i, gamma_i, beta_i):
    # embedding construction: w2v lookup + mean pooling over node tokens
    node_feat = jnp.mean(word_emb[graph_nodes_idx], axis=1)  # [N, HID]
    h_r = node_feat
    h_i = node_feat
    for l in range(N_LAYERS):
        h_r = _ggnn_layer(h_r, edge_index, Wmsg_r[l], bmsg_r[l], Wi_r[l], Wh_r[l], bi_r[l], bh_r[l])
        h_r = jnp.tanh(_bn(h_r, gamma_r[l], beta_r[l]))  # dropout train=False (require_loss=False) -> identity
        h_i = _ggnn_layer(h_i, edge_index, Wmsg_i[l], bmsg_i[l], Wi_i[l], Wh_i[l], bi_i[l], bh_i[l])
        h_i = jnp.tanh(_bn(h_i, gamma_i[l], beta_i[l]))
    # ComplEx 1-vs-all scoring
    er = h_r[e1]
    ei = h_i[e1]
    rr = rel_real[rel]
    ri = rel_img[rel]
    score = ((er * rr) @ h_r.T + (ei * rr) @ h_i.T
             + (er * ri) @ h_i.T - (ei * ri) @ h_r.T)
    logits = jax.nn.sigmoid(score)  # BCELoss variant applies sigmoid to produce probabilities
    return logits

if __name__ == "__main__":
    import jax
    _d = setup_inputs()
    print(jax.jit(kernel)(*tuple(_d.values())))

</pallas_src>

<mosaic_0001>
module attributes {stable_mosaic.version = 14 : i64} {
  func.func @_msg_kernel(%arg0: i32, %arg1: i32, %arg2: memref<1x2000x256xf32, #tpu.memory_space<vmem>>, %arg3: memref<1x256x256xf32, #tpu.memory_space<vmem>>, %arg4: memref<1x1x256xf32, #tpu.memory_space<vmem>>, %arg5: memref<1x2000x256xf32, #tpu.memory_space<vmem>>) attributes {dimension_semantics = [#tpu.dimension_semantics<arbitrary>, #tpu.dimension_semantics<arbitrary>], iteration_bounds = array<i64: 2, 5>, scalar_prefetch = 0 : i64, scratch_operands = 0 : i64, tpu.core_type = #tpu.core_type<tc>, window_params = [{transform_indices = @transform_0, window_bounds = array<i64: 1, 2000, 256>}, {transform_indices = @transform_1, window_bounds = array<i64: 1, 256, 256>}, {transform_indices = @transform_2, window_bounds = array<i64: 1, 1, 256>}, {transform_indices = @transform_3, window_bounds = array<i64: 1, 2000, 256>}]} {
    %get3A = arith.constant 0 : index
    %get3A_0 = arith.constant 0 : index
    %get3A_1 = arith.constant 0 : index
    %get3A_2 = vector.load %arg2[%get3A, %get3A_0, %get3A_1] : memref<1x2000x256xf32, #tpu.memory_space<vmem>>, vector<1x2000x256xf32>
    %get3A_3 = vector.shape_cast %get3A_2 : vector<1x2000x256xf32> to vector<2000x256xf32>
    %get3A_4 = arith.constant 0 : index
    %get3A_5 = arith.constant 0 : index
    %get3A_6 = arith.constant 0 : index
    %get3A_7 = vector.load %arg3[%get3A_4, %get3A_5, %get3A_6] : memref<1x256x256xf32, #tpu.memory_space<vmem>>, vector<1x256x256xf32>
    %get3A_8 = vector.shape_cast %get3A_7 : vector<1x256x256xf32> to vector<256x256xf32>
    %dot_general3A = arith.constant dense<0.000000e+00> : vector<2000x256xf32>
    %dot_general3A_9 = tpu.matmul %get3A_3, %get3A_8, %dot_general3A {dimension_numbers = #tpu.dot_dimension_numbers<[1], [0], [0], [1], [0, 0, 1, 1], [], []>, transpose_lhs_hint = false} : vector<2000x256xf32>, vector<256x256xf32>, vector<2000x256xf32> -> vector<2000x256xf32>
    %get3A_10 = arith.constant 0 : index
    %get3A_11 = arith.constant 0 : index
    %get3A_12 = arith.constant 0 : index
    %get3A_13 = vector.load %arg4[%get3A_10, %get3A_11, %get3A_12] : memref<1x1x256xf32, #tpu.memory_space<vmem>>, vector<1x1x256xf32>
    %get3A_14 = vector.shape_cast %get3A_13 : vector<1x1x256xf32> to vector<1x256xf32>
    %add3A = vector.broadcast %get3A_14 : vector<1x256xf32> to vector<2000x256xf32>
    %add3A_15 = arith.addf %dot_general3A_9, %add3A : vector<2000x256xf32>
    %swap3A = arith.constant 0 : index
    %swap3A_16 = arith.constant 0 : index
    %swap3A_17 = arith.constant 0 : index
    %swap3A_18 = vector.load %arg5[%swap3A, %swap3A_16, %swap3A_17] : memref<1x2000x256xf32, #tpu.memory_space<vmem>>, vector<1x2000x256xf32>
    %swap3A_19 = vector.shape_cast %swap3A_18 : vector<1x2000x256xf32> to vector<2000x256xf32>
    %swap3A_20 = vector.shape_cast %add3A_15 : vector<2000x256xf32> to vector<1x2000x256xf32>
    tpu.vector_store %arg5[%swap3A, %swap3A_16, %swap3A_17], %swap3A_20 {strides = array<i32>} : memref<1x2000x256xf32, #tpu.memory_space<vmem>>, vector<1x2000x256xf32>,
    return
  }
  func.func @transform_0(%arg0: i32, %arg1: i32) -> (i32, i32, i32) {
    %c0_i32 = arith.constant 0 : i32
    %c0_i32_0 = arith.constant 0 : i32
    return %arg0, %arg1, %c0_i32 : i32, i32, i32
  }
  func.func @transform_1(%arg0: i32, %arg1: i32) -> (i32, i32, i32) {
    %c0_i32 = arith.constant 0 : i32
    %c0_i32_0 = arith.constant 0 : i32
    %c0_i32_1 = arith.constant 0 : i32
    return %arg0, %c0_i32, %c0_i32_0 : i32, i32, i32
  }
  func.func @transform_2(%arg0: i32, %arg1: i32) -> (i32, i32, i32) {
    %c0_i32 = arith.constant 0 : i32
    %c0_i32_0 = arith.constant 0 : i32
    %c0_i32_1 = arith.constant 0 : i32
    return %arg0, %c0_i32, %c0_i32_0 : i32, i32, i32
  }
  func.func @transform_3(%arg0: i32, %arg1: i32) -> (i32, i32, i32) {
    %c0_i32 = arith.constant 0 : i32
    %c0_i32_0 = arith.constant 0 : i32
    return %arg0, %arg1, %c0_i32 : i32, i32, i32
  }
}

module attributes {stable_mosaic.version = 14 : i64} {
  func.func @_gru_kernel(%arg0: i32, %arg1: i32, %arg2: memref<1x2000x256xf32, #tpu.memory_space<vmem>>, %arg3: memref<1x2000x256xf32, #tpu.memory_space<vmem>>, %arg4: memref<1x256x768xf32, #tpu.memory_space<vmem>>, %arg5: memref<1x256x768xf32, #tpu.memory_space<vmem>>, %arg6: memref<1x1x768xf32, #tpu.memory_space<vmem>>, %arg7: memref<1x1x768xf32, #tpu.memory_space<vmem>>, %arg8: memref<1x2000x256xf32, #tpu.memory_space<vmem>>, %arg9: memref<1x2x256xf32, #tpu.memory_space<vmem>>) attributes {dimension_semantics = [#tpu.dimension_semantics<arbitrary>, #tpu.dimension_semantics<arbitrary>], iteration_bounds = array<i64: 2, 5>, scalar_prefetch = 0 : i64, scratch_operands = 0 : i64, tpu.core_type = #tpu.core_type<tc>, window_params = [{transform_indices = @transform_0, window_bounds = array<i64: 1, 2000, 256>}, {transform_indices = @transform_1, window_bounds = array<i64: 1, 2000, 256>}, {transform_indices = @transform_2, window_bounds = array<i64: 1, 256, 768>}, {transform_indices = @transform_3, window_bounds = array<i64: 1, 256, 768>}, {transform_indices = @transform_4, window_bounds = array<i64: 1, 1, 768>}, {transform_indices = @transform_5, window_bounds = array<i64: 1, 1, 768>}, {transform_indices = @transform_6, window_bounds = array<i64: 1, 2000, 256>}, {transform_indices = @transform_7, window_bounds = array<i64: 1, 2, 256>}]} {
    %get3A = arith.constant 0 : index
    %get3A_0 = arith.constant 0 : index
    %get3A_1 = arith.constant 0 : index
    %get3A_2 = vector.load %arg2[%get3A, %get3A_0, %get3A_1] : memref<1x2000x256xf32, #tpu.memory_space<vmem>>, vector<1x2000x256xf32>
    %get3A_3 = vector.shape_cast %get3A_2 : vector<1x2000x256xf32> to vector<2000x256xf32>
    %get3A_4 = arith.constant 0 : index
    %get3A_5 = arith.constant 0 : index
    %get3A_6 = arith.constant 0 : index
    %get3A_7 = vector.load %arg3[%get3A_4, %get3A_5, %get3A_6] : memref<1x2000x256xf32, #tpu.memory_space<vmem>>, vector<1x2000x256xf32>
    %get3A_8 = vector.shape_cast %get3A_7 : vector<1x2000x256xf32> to vector<2000x256xf32>
    %get3A_9 = arith.constant 0 : index
    %get3A_10 = arith.constant 0 : index
    %get3A_11 = arith.constant 0 : index
    %get3A_12 = vector.load %arg4[%get3A_9, %get3A_10, %get3A_11] : memref<1x256x768xf32, #tpu.memory_space<vmem>>, vector<1x256x768xf32>
    %get3A_13 = vector.shape_cast %get3A_12 : vector<1x256x768xf32> to vector<256x768xf32>
    %dot_general3A = arith.constant dense<0.000000e+00> : vector<2000x768xf32>
    %dot_general3A_14 = tpu.matmul %get3A_3, %get3A_13, %dot_general3A {dimension_numbers = #tpu.dot_dimension_numbers<[1], [0], [0], [1], [0, 0, 1, 1], [], []>, transpose_lhs_hint = false} : vector<2000x256xf32>, vector<256x768xf32>, vector<2000x768xf32> -> vector<2000x768xf32>
    %get3A_15 = arith.constant 0 : index
    %get3A_16 = arith.constant 0 : index
    %get3A_17 = arith.constant 0 : index
    %get3A_18 = vector.load %arg6[%get3A_15, %get3A_16, %get3A_17] : memref<1x1x768xf32, #tpu.memory_space<vmem>>, vector<1x1x768xf32>
    %get3A_19 = vector.shape_cast %get3A_18 : vector<1x1x768xf32> to vector<1x768xf32>
    %add3A = vector.broadcast %get3A_19 : vector<1x768xf32> to vector<2000x768xf32>
    %add3A_20 = arith.addf %dot_general3A_14, %add3A : vector<2000x768xf32>
    %get3A_21 = arith.constant 0 : index
    %get3A_22 = arith.constant 0 : index
    %get3A_23 = arith.constant 0 : index
    %get3A_24 = vector.load %arg5[%get3A_21, %get3A_22, %get3A_23] : memref<1x256x768xf32, #tpu.memory_space<vmem>>, vector<1x256x768xf32>
    %get3A_25 = vector.shape_cast %get3A_24 : vector<1x256x768xf32> to vector<256x768xf32>
    %dot_general3A_26 = arith.constant dense<0.000000e+00> : vector<2000x768xf32>
    %dot_general3A_27 = tpu.matmul %get3A_8, %get3A_25, %dot_general3A_26 {dimension_numbers = #tpu.dot_dimension_numbers<[1], [0], [0], [1], [0, 0, 1, 1], [], []>, transpose_lhs_hint = false} : vector<2000x256xf32>, vector<256x768xf32>, vector<2000x768xf32> -> vector<2000x768xf32>
    %get3A_28 = arith.constant 0 : index
    %get3A_29 = arith.constant 0 : index
    %get3A_30 = arith.constant 0 : index
    %get3A_31 = vector.load %arg7[%get3A_28, %get3A_29, %get3A_30] : memref<1x1x768xf32, #tpu.memory_space<vmem>>, vector<1x1x768xf32>
    %get3A_32 = vector.shape_cast %get3A_31 : vector<1x1x768xf32> to vector<1x768xf32>
    %add3A_33 = vector.broadcast %get3A_32 : vector<1x768xf32> to vector<2000x768xf32>
    %add3A_34 = arith.addf %dot_general3A_27, %add3A_33 : vector<2000x768xf32>
    %slice3A = vector.extract_strided_slice %add3A_20 {offsets = [0, 0], sizes = [2000, 256], strides = [1, 1]} : vector<2000x768xf32> to vector<2000x256xf32>
    %slice3A_35 = vector.extract_strided_slice %add3A_34 {offsets = [0, 0], sizes = [2000, 256], strides = [1, 1]} : vector<2000x768xf32> to vector<2000x256xf32>
    %add3A_36 = arith.addf %slice3A, %slice3A_35 : vector<2000x256xf32>
    %logistic3A = arith.negf %add3A_36 : vector<2000x256xf32>
    %logistic3A_37 = math.exp %logistic3A : vector<2000x256xf32>
    %logistic3A_38 = arith.constant 1.000000e+00 : f32
    %logistic3A_39 = vector.broadcast %logistic3A_38 : f32 to vector<2000x256xf32>
    %logistic3A_40 = arith.addf %logistic3A_39, %logistic3A_37 : vector<2000x256xf32>
    %logistic3A_41 = arith.divf %logistic3A_39, %logistic3A_40 : vector<2000x256xf32>
    %slice3A_42 = vector.extract_strided_slice %add3A_20 {offsets = [0, 256], sizes = [2000, 256], strides = [1, 1]} : vector<2000x768xf32> to vector<2000x256xf32>
    %slice3A_43 = vector.extract_strided_slice %add3A_34 {offsets = [0, 256], sizes = [2000, 256], strides = [1, 1]} : vector<2000x768xf32> to vector<2000x256xf32>
    %add3A_44 = arith.addf %slice3A_42, %slice3A_43 : vector<2000x256xf32>
    %logistic3A_45 = arith.negf %add3A_44 : vector<2000x256xf32>
    %logistic3A_46 = math.exp %logistic3A_45 : vector<2000x256xf32>
    %logistic3A_47 = arith.constant 1.000000e+00 : f32
    %logistic3A_48 = vector.broadcast %logistic3A_47 : f32 to vector<2000x256xf32>
    %logistic3A_49 = arith.addf %logistic3A_48, %logistic3A_46 : vector<2000x256xf32>
    %logistic3A_50 = arith.divf %logistic3A_48, %logistic3A_49 : vector<2000x256xf32>
    %slice3A_51 = vector.extract_strided_slice %add3A_20 {offsets = [0, 512], sizes = [2000, 256], strides = [1, 1]} : vector<2000x768xf32> to vector<2000x256xf32>
    %slice3A_52 = vector.extract_strided_slice %add3A_34 {offsets = [0, 512], sizes = [2000, 256], strides = [1, 1]} : vector<2000x768xf32> to vector<2000x256xf32>
    %mul3A = arith.mulf %logistic3A_41, %slice3A_52 : vector<2000x256xf32>
    %add3A_53 = arith.addf %slice3A_51, %mul3A : vector<2000x256xf32>
    %tanh3A = math.tanh %add3A_53 : vector<2000x256xf32>
    %sub3A = arith.constant 1.000000e+00 : f32
    %sub3A_54 = vector.broadcast %sub3A : f32 to vector<2000x256xf32>
    %sub3A_55 = arith.subf %sub3A_54, %logistic3A_50 : vector<2000x256xf32>
    %mul3A_56 = arith.mulf %sub3A_55, %tanh3A : vector<2000x256xf32>
    %mul3A_57 = arith.mulf %logistic3A_50, %get3A_8 : vector<2000x256xf32>
    %add3A_58 = arith.addf %mul3A_56, %mul3A_57 : vector<2000x256xf32>
    %swap3A = arith.constant 0 : index
    %swap3A_59 = arith.constant 0 : index
    %swap3A_60 = arith.constant 0 : index
    %swap3A_61 = vector.load %arg8[%swap3A, %swap3A_59, %swap3A_60] : memref<1x2000x256xf32, #tpu.memory_space<vmem>>, vector<1x2000x256xf32>
    %swap3A_62 = vector.shape_cast %swap3A_61 : vector<1x2000x256xf32> to vector<2000x256xf32>
    %swap3A_63 = vector.shape_cast %add3A_58 : vector<2000x256xf32> to vector<1x2000x256xf32>
    tpu.vector_store %arg8[%swap3A, %swap3A_59, %swap3A_60], %swap3A_63 {strides = array<i32>} : memref<1x2000x256xf32, #tpu.memory_space<vmem>>, vector<1x2000x256xf32>,
    %reduce_sum3A = arith.constant dense<0.000000e+00> : vector<256xf32>
    %reduce_sum3A_64 = vector.multi_reduction <add>, %add3A_58, %reduce_sum3A [0] : vector<2000x256xf32> to vector<256xf32>
    %broadcast_in_dim3A = vector.shape_cast %reduce_sum3A_64 : vector<256xf32> to vector<1x256xf32>
    %mul3A_65 = arith.mulf %add3A_58, %add3A_58 : vector<2000x256xf32>
    %reduce_sum3A_66 = arith.constant dense<0.000000e+00> : vector<256xf32>
    %reduce_sum3A_67 = vector.multi_reduction <add>, %mul3A_65, %reduce_sum3A_66 [0] : vector<2000x256xf32> to vector<256xf32>
    %broadcast_in_dim3A_68 = vector.shape_cast %reduce_sum3A_67 : vector<256xf32> to vector<1x256xf32>
    %concatenate3A = tpu.concatenate %broadcast_in_dim3A, %broadcast_in_dim3A_68 in 0 : vector<1x256xf32>, vector<1x256xf32> -> vector<2x256xf32>
    %eq3A = arith.constant 0 : i32
    %eq3A_69 = arith.cmpi eq, %arg1, %eq3A : i32
    %convert_element_type3A = arith.extui %eq3A_69 : i1 to i32
    %cond3A = arith.constant 0 : i32
    %cond3A_70 = arith.cmpi ne, %convert_element_type3A, %cond3A : i32
    scf.if %cond3A_70 {
      %swap3A_75 = arith.constant 0 : index
      %swap3A_76 = arith.constant 0 : index
      %swap3A_77 = arith.constant 0 : index
      %swap3A_78 = vector.load %arg9[%swap3A_75, %swap3A_76, %swap3A_77] : memref<1x2x256xf32, #tpu.memory_space<vmem>>, vector<1x2x256xf32>
      %swap3A_79 = vector.shape_cast %swap3A_78 : vector<1x2x256xf32> to vector<2x256xf32>
      %swap3A_80 = vector.shape_cast %concatenate3A : vector<2x256xf32> to vector<1x2x256xf32>
      tpu.vector_store %arg9[%swap3A_75, %swap3A_76, %swap3A_77], %swap3A_80 {strides = array<i32>} : memref<1x2x256xf32, #tpu.memory_space<vmem>>, vector<1x2x256xf32>,
    } else {
    }
    %gt3A = arith.constant 0 : i32
    %gt3A_71 = arith.cmpi sgt, %arg1, %gt3A : i32
    %convert_element_type3A_72 = arith.extui %gt3A_71 : i1 to i32
    %cond3A_73 = arith.constant 0 : i32
    %cond3A_74 = arith.cmpi ne, %convert_element_type3A_72, %cond3A_73 : i32
    scf.if %cond3A_74 {
      %get3A_75 = arith.constant 0 : index
      %get3A_76 = arith.constant 0 : index
      %get3A_77 = arith.constant 0 : index
      %get3A_78 = vector.load %arg9[%get3A_75, %get3A_76, %get3A_77] : memref<1x2x256xf32, #tpu.memory_space<vmem>>, vector<1x2x256xf32>
      %get3A_79 = vector.shape_cast %get3A_78 : vector<1x2x256xf32> to vector<2x256xf32>
      %add3A_80 = arith.addf %get3A_79, %concatenate3A : vector<2x256xf32>
      %swap3A_81 = arith.constant 0 : index
      %swap3A_82 = arith.constant 0 : index
      %swap3A_83 = arith.constant 0 : index
      %swap3A_84 = vector.load %arg9[%swap3A_81, %swap3A_82, %swap3A_83] : memref<1x2x256xf32, #tpu.memory_space<vmem>>, vector<1x2x256xf32>
      %swap3A_85 = vector.shape_cast %swap3A_84 : vector<1x2x256xf32> to vector<2x256xf32>
      %swap3A_86 = vector.shape_cast %add3A_80 : vector<2x256xf32> to vector<1x2x256xf32>
      tpu.vector_store %arg9[%swap3A_81, %swap3A_82, %swap3A_83], %swap3A_86 {strides = array<i32>} : memref<1x2x256xf32, #tpu.memory_space<vmem>>, vector<1x2x256xf32>,
    } else {
    }
    return
  }
  func.func @transform_0(%arg0: i32, %arg1: i32) -> (i32, i32, i32) {
    %c0_i32 = arith.constant 0 : i32
    %c0_i32_0 = arith.constant 0 : i32
    return %arg0, %arg1, %c0_i32 : i32, i32, i32
  }
  func.func @transform_1(%arg0: i32, %arg1: i32) -> (i32, i32, i32) {
    %c0_i32 = arith.constant 0 : i32
    %c0_i32_0 = arith.constant 0 : i32
    return %arg0, %arg1, %c0_i32 : i32, i32, i32
  }
  func.func @transform_2(%arg0: i32, %arg1: i32) -> (i32, i32, i32) {
    %c0_i32 = arith.constant 0 : i32
    %c0_i32_0 = arith.constant 0 : i32
    %c0_i32_1 = arith.constant 0 : i32
    return %arg0, %c0_i32, %c0_i32_0 : i32, i32, i32
  }
  func.func @transform_3(%arg0: i32, %arg1: i32) -> (i32, i32, i32) {
    %c0_i32 = arith.constant 0 : i32
    %c0_i32_0 = arith.constant 0 : i32
    %c0_i32_1 = arith.constant 0 : i32
    return %arg0, %c0_i32, %c0_i32_0 : i32, i32, i32
  }
  func.func @transform_4(%arg0: i32, %arg1: i32) -> (i32, i32, i32) {
    %c0_i32 = arith.constant 0 : i32
    %c0_i32_0 = arith.constant 0 : i32
    %c0_i32_1 = arith.constant 0 : i32
    return %arg0, %c0_i32, %c0_i32_0 : i32, i32, i32
  }
  func.func @transform_5(%arg0: i32, %arg1: i32) -> (i32, i32, i32) {
    %c0_i32 = arith.constant 0 : i32
    %c0_i32_0 = arith.constant 0 : i32
    %c0_i32_1 = arith.constant 0 : i32
    return %arg0, %c0_i32, %c0_i32_0 : i32, i32, i32
  }
  func.func @transform_6(%arg0: i32, %arg1: i32) -> (i32, i32, i32) {
    %c0_i32 = arith.constant 0 : i32
    %c0_i32_0 = arith.constant 0 : i32
    return %arg0, %arg1, %c0_i32 : i32, i32, i32
  }
  func.func @transform_7(%arg0: i32, %arg1: i32) -> (i32, i32, i32) {
    %c0_i32 = arith.constant 0 : i32
    %c0_i32_0 = arith.constant 0 : i32
    %c0_i32_1 = arith.constant 0 : i32
    return %arg0, %c0_i32, %c0_i32_0 : i32, i32, i32
  }
}

module attributes {stable_mosaic.version = 14 : i64} {
  func.func @_msg_bn_kernel(%arg0: i32, %arg1: i32, %arg2: memref<1x2000x256xf32, #tpu.memory_space<vmem>>, %arg3: memref<1x2x256xf32, #tpu.memory_space<vmem>>, %arg4: memref<1x1x256xf32, #tpu.memory_space<vmem>>, %arg5: memref<1x1x256xf32, #tpu.memory_space<vmem>>, %arg6: memref<1x256x256xf32, #tpu.memory_space<vmem>>, %arg7: memref<1x1x256xf32, #tpu.memory_space<vmem>>, %arg8: memref<1x2000x256xf32, #tpu.memory_space<vmem>>, %arg9: memref<1x2000x256xf32, #tpu.memory_space<vmem>>) attributes {dimension_semantics = [#tpu.dimension_semantics<arbitrary>, #tpu.dimension_semantics<arbitrary>], iteration_bounds = array<i64: 2, 5>, scalar_prefetch = 0 : i64, scratch_operands = 0 : i64, tpu.core_type = #tpu.core_type<tc>, window_params = [{transform_indices = @transform_0, window_bounds = array<i64: 1, 2000, 256>}, {transform_indices = @transform_1, window_bounds = array<i64: 1, 2, 256>}, {transform_indices = @transform_2, window_bounds = array<i64: 1, 1, 256>}, {transform_indices = @transform_3, window_bounds = array<i64: 1, 1, 256>}, {transform_indices = @transform_4, window_bounds = array<i64: 1, 256, 256>}, {transform_indices = @transform_5, window_bounds = array<i64: 1, 1, 256>}, {transform_indices = @transform_6, window_bounds = array<i64: 1, 2000, 256>}, {transform_indices = @transform_7, window_bounds = array<i64: 1, 2000, 256>}]} {
    %get3A = arith.constant 0 : index
    %get3A_0 = arith.constant 0 : index
    %get3A_1 = arith.constant 0 : index
    %get3A_2 = vector.load %arg2[%get3A, %get3A_0, %get3A_1] : memref<1x2000x256xf32, #tpu.memory_space<vmem>>, vector<1x2000x256xf32>
    %get3A_3 = vector.shape_cast %get3A_2 : vector<1x2000x256xf32> to vector<2000x256xf32>
    %get3A_4 = arith.constant 0 : index
    %get3A_5 = arith.constant 0 : index
    %get3A_6 = arith.constant 0 : index
    %get3A_7 = vector.load %arg3[%get3A_4, %get3A_5, %get3A_6] : memref<1x2x256xf32, #tpu.memory_space<vmem>>, vector<1x1x256xf32>
    %get3A_8 = vector.shape_cast %get3A_7 : vector<1x1x256xf32> to vector<1x256xf32>
    %mul3A = arith.constant 9.99999974E-5 : f32
    %mul3A_9 = vector.broadcast %mul3A : f32 to vector<1x256xf32>
    %mul3A_10 = arith.mulf %get3A_8, %mul3A_9 : vector<1x256xf32>
    %get3A_11 = arith.constant 0 : index
    %get3A_12 = arith.constant 1 : index
    %get3A_13 = arith.constant 0 : index
    %get3A_14 = vector.load %arg3[%get3A_11, %get3A_12, %get3A_13] : memref<1x2x256xf32, #tpu.memory_space<vmem>>, vector<1x1x256xf32>
    %get3A_15 = vector.shape_cast %get3A_14 : vector<1x1x256xf32> to vector<1x256xf32>
    %mul3A_16 = arith.constant 9.99999974E-5 : f32
    %mul3A_17 = vector.broadcast %mul3A_16 : f32 to vector<1x256xf32>
    %mul3A_18 = arith.mulf %get3A_15, %mul3A_17 : vector<1x256xf32>
    %mul3A_19 = arith.mulf %mul3A_10, %mul3A_10 : vector<1x256xf32>
    %sub3A = arith.subf %mul3A_18, %mul3A_19 : vector<1x256xf32>
    %add3A = arith.constant 9.99999974E-6 : f32
    %add3A_20 = vector.broadcast %add3A : f32 to vector<1x256xf32>
    %add3A_21 = arith.addf %sub3A, %add3A_20 : vector<1x256xf32>
    %rsqrt3A = math.rsqrt %add3A_21 : vector<1x256xf32>
    %sub3A_22 = vector.broadcast %mul3A_10 : vector<1x256xf32> to vector<2000x256xf32>
    %sub3A_23 = arith.subf %get3A_3, %sub3A_22 : vector<2000x256xf32>
    %mul3A_24 = vector.broadcast %rsqrt3A : vector<1x256xf32> to vector<2000x256xf32>
    %mul3A_25 = arith.mulf %sub3A_23, %mul3A_24 : vector<2000x256xf32>
    %get3A_26 = arith.constant 0 : index
    %get3A_27 = arith.constant 0 : index
    %get3A_28 = arith.constant 0 : index
    %get3A_29 = vector.load %arg4[%get3A_26, %get3A_27, %get3A_28] : memref<1x1x256xf32, #tpu.memory_space<vmem>>, vector<1x1x256xf32>
    %get3A_30 = vector.shape_cast %get3A_29 : vector<1x1x256xf32> to vector<1x256xf32>
    %mul3A_31 = vector.broadcast %get3A_30 : vector<1x256xf32> to vector<2000x256xf32>
    %mul3A_32 = arith.mulf %mul3A_25, %mul3A_31 : vector<2000x256xf32>
    %get3A_33 = arith.constant 0 : index
    %get3A_34 = arith.constant 0 : index
    %get3A_35 = arith.constant 0 : index
    %get3A_36 = vector.load %arg5[%get3A_33, %get3A_34, %get3A_35] : memref<1x1x256xf32, #tpu.memory_space<vmem>>, vector<1x1x256xf32>
    %get3A_37 = vector.shape_cast %get3A_36 : vector<1x1x256xf32> to vector<1x256xf32>
    %add3A_38 = vector.broadcast %get3A_37 : vector<1x256xf32> to vector<2000x256xf32>
    %add3A_39 = arith.addf %mul3A_32, %add3A_38 : vector<2000x256xf32>
    %tanh3A = math.tanh %add3A_39 : vector<2000x256xf32>
    %swap3A = arith.constant 0 : index
    %swap3A_40 = arith.constant 0 : index
    %swap3A_41 = arith.constant 0 : index
    %swap3A_42 = vector.load %arg8[%swap3A, %swap3A_40, %swap3A_41] : memref<1x2000x256xf32, #tpu.memory_space<vmem>>, vector<1x2000x256xf32>
    %swap3A_43 = vector.shape_cast %swap3A_42 : vector<1x2000x256xf32> to vector<2000x256xf32>
    %swap3A_44 = vector.shape_cast %tanh3A : vector<2000x256xf32> to vector<1x2000x256xf32>
    tpu.vector_store %arg8[%swap3A, %swap3A_40, %swap3A_41], %swap3A_44 {strides = array<i32>} : memref<1x2000x256xf32, #tpu.memory_space<vmem>>, vector<1x2000x256xf32>,
    %get3A_45 = arith.constant 0 : index
    %get3A_46 = arith.constant 0 : index
    %get3A_47 = arith.constant 0 : index
    %get3A_48 = vector.load %arg6[%get3A_45, %get3A_46, %get3A_47] : memref<1x256x256xf32, #tpu.memory_space<vmem>>, vector<1x256x256xf32>
    %get3A_49 = vector.shape_cast %get3A_48 : vector<1x256x256xf32> to vector<256x256xf32>
    %dot_general3A = arith.constant dense<0.000000e+00> : vector<2000x256xf32>
    %dot_general3A_50 = tpu.matmul %tanh3A, %get3A_49, %dot_general3A {dimension_numbers = #tpu.dot_dimension_numbers<[1], [0], [0], [1], [0, 0, 1, 1], [], []>, transpose_lhs_hint = false} : vector<2000x256xf32>, vector<256x256xf32>, vector<2000x256xf32> -> vector<2000x256xf32>
    %get3A_51 = arith.constant 0 : index
    %get3A_52 = arith.constant 0 : index
    %get3A_53 = arith.constant 0 : index
    %get3A_54 = vector.load %arg7[%get3A_51, %get3A_52, %get3A_53] : memref<1x1x256xf32, #tpu.memory_space<vmem>>, vector<1x1x256xf32>
    %get3A_55 = vector.shape_cast %get3A_54 : vector<1x1x256xf32> to vector<1x256xf32>
    %add3A_56 = vector.broadcast %get3A_55 : vector<1x256xf32> to vector<2000x256xf32>
    %add3A_57 = arith.addf %dot_general3A_50, %add3A_56 : vector<2000x256xf32>
    %swap3A_58 = arith.constant 0 : index
    %swap3A_59 = arith.constant 0 : index
    %swap3A_60 = arith.constant 0 : index
    %swap3A_61 = vector.load %arg9[%swap3A_58, %swap3A_59, %swap3A_60] : memref<1x2000x256xf32, #tpu.memory_space<vmem>>, vector<1x2000x256xf32>
    %swap3A_62 = vector.shape_cast %swap3A_61 : vector<1x2000x256xf32> to vector<2000x256xf32>
    %swap3A_63 = vector.shape_cast %add3A_57 : vector<2000x256xf32> to vector<1x2000x256xf32>
    tpu.vector_store %arg9[%swap3A_58, %swap3A_59, %swap3A_60], %swap3A_63 {strides = array<i32>} : memref<1x2000x256xf32, #tpu.memory_space<vmem>>, vector<1x2000x256xf32>,
    return
  }
  func.func @transform_0(%arg0: i32, %arg1: i32) -> (i32, i32, i32) {
    %c0_i32 = arith.constant 0 : i32
    %c0_i32_0 = arith.constant 0 : i32
    return %arg0, %arg1, %c0_i32 : i32, i32, i32
  }
  func.func @transform_1(%arg0: i32, %arg1: i32) -> (i32, i32, i32) {
    %c0_i32 = arith.constant 0 : i32
    %c0_i32_0 = arith.constant 0 : i32
    %c0_i32_1 = arith.constant 0 : i32
    return %arg0, %c0_i32, %c0_i32_0 : i32, i32, i32
  }
  func.func @transform_2(%arg0: i32, %arg1: i32) -> (i32, i32, i32) {
    %c0_i32 = arith.constant 0 : i32
    %c0_i32_0 = arith.constant 0 : i32
    %c0_i32_1 = arith.constant 0 : i32
    return %arg0, %c0_i32, %c0_i32_0 : i32, i32, i32
  }
  func.func @transform_3(%arg0: i32, %arg1: i32) -> (i32, i32, i32) {
    %c0_i32 = arith.constant 0 : i32
    %c0_i32_0 = arith.constant 0 : i32
    %c0_i32_1 = arith.constant 0 : i32
    return %arg0, %c0_i32, %c0_i32_0 : i32, i32, i32
  }
  func.func @transform_4(%arg0: i32, %arg1: i32) -> (i32, i32, i32) {
    %c0_i32 = arith.constant 0 : i32
    %c0_i32_0 = arith.constant 0 : i32
    %c0_i32_1 = arith.constant 0 : i32
    return %arg0, %c0_i32, %c0_i32_0 : i32, i32, i32
  }
  func.func @transform_5(%arg0: i32, %arg1: i32) -> (i32, i32, i32) {
    %c0_i32 = arith.constant 0 : i32
    %c0_i32_0 = arith.constant 0 : i32
    %c0_i32_1 = arith.constant 0 : i32
    return %arg0, %c0_i32, %c0_i32_0 : i32, i32, i32
  }
  func.func @transform_6(%arg0: i32, %arg1: i32) -> (i32, i32, i32) {
    %c0_i32 = arith.constant 0 : i32
    %c0_i32_0 = arith.constant 0 : i32
    return %arg0, %arg1, %c0_i32 : i32, i32, i32
  }
  func.func @transform_7(%arg0: i32, %arg1: i32) -> (i32, i32, i32) {
    %c0_i32 = arith.constant 0 : i32
    %c0_i32_0 = arith.constant 0 : i32
    return %arg0, %arg1, %c0_i32 : i32, i32, i32
  }
}

module attributes {stable_mosaic.version = 14 : i64} {
  func.func @_bn_kernel(%arg0: i32, %arg1: i32, %arg2: memref<1x2000x256xf32, #tpu.memory_space<vmem>>, %arg3: memref<1x2x256xf32, #tpu.memory_space<vmem>>, %arg4: memref<1x1x256xf32, #tpu.memory_space<vmem>>, %arg5: memref<1x1x256xf32, #tpu.memory_space<vmem>>, %arg6: memref<1x2000x256xf32, #tpu.memory_space<vmem>>) attributes {dimension_semantics = [#tpu.dimension_semantics<arbitrary>, #tpu.dimension_semantics<arbitrary>], iteration_bounds = array<i64: 2, 5>, scalar_prefetch = 0 : i64, scratch_operands = 0 : i64, tpu.core_type = #tpu.core_type<tc>, window_params = [{transform_indices = @transform_0, window_bounds = array<i64: 1, 2000, 256>}, {transform_indices = @transform_1, window_bounds = array<i64: 1, 2, 256>}, {transform_indices = @transform_2, window_bounds = array<i64: 1, 1, 256>}, {transform_indices = @transform_3, window_bounds = array<i64: 1, 1, 256>}, {transform_indices = @transform_4, window_bounds = array<i64: 1, 2000, 256>}]} {
    %get3A = arith.constant 0 : index
    %get3A_0 = arith.constant 0 : index
    %get3A_1 = arith.constant 0 : index
    %get3A_2 = vector.load %arg2[%get3A, %get3A_0, %get3A_1] : memref<1x2000x256xf32, #tpu.memory_space<vmem>>, vector<1x2000x256xf32>
    %get3A_3 = vector.shape_cast %get3A_2 : vector<1x2000x256xf32> to vector<2000x256xf32>
    %get3A_4 = arith.constant 0 : index
    %get3A_5 = arith.constant 0 : index
    %get3A_6 = arith.constant 0 : index
    %get3A_7 = vector.load %arg3[%get3A_4, %get3A_5, %get3A_6] : memref<1x2x256xf32, #tpu.memory_space<vmem>>, vector<1x1x256xf32>
    %get3A_8 = vector.shape_cast %get3A_7 : vector<1x1x256xf32> to vector<1x256xf32>
    %mul3A = arith.constant 9.99999974E-5 : f32
    %mul3A_9 = vector.broadcast %mul3A : f32 to vector<1x256xf32>
    %mul3A_10 = arith.mulf %get3A_8, %mul3A_9 : vector<1x256xf32>
    %get3A_11 = arith.constant 0 : index
    %get3A_12 = arith.constant 1 : index
    %get3A_13 = arith.constant 0 : index
    %get3A_14 = vector.load %arg3[%get3A_11, %get3A_12, %get3A_13] : memref<1x2x256xf32, #tpu.memory_space<vmem>>, vector<1x1x256xf32>
    %get3A_15 = vector.shape_cast %get3A_14 : vector<1x1x256xf32> to vector<1x256xf32>
    %mul3A_16 = arith.constant 9.99999974E-5 : f32
    %mul3A_17 = vector.broadcast %mul3A_16 : f32 to vector<1x256xf32>
    %mul3A_18 = arith.mulf %get3A_15, %mul3A_17 : vector<1x256xf32>
    %mul3A_19 = arith.mulf %mul3A_10, %mul3A_10 : vector<1x256xf32>
    %sub3A = arith.subf %mul3A_18, %mul3A_19 : vector<1x256xf32>
    %add3A = arith.constant 9.99999974E-6 : f32
    %add3A_20 = vector.broadcast %add3A : f32 to vector<1x256xf32>
    %add3A_21 = arith.addf %sub3A, %add3A_20 : vector<1x256xf32>
    %rsqrt3A = math.rsqrt %add3A_21 : vector<1x256xf32>
    %sub3A_22 = vector.broadcast %mul3A_10 : vector<1x256xf32> to vector<2000x256xf32>
    %sub3A_23 = arith.subf %get3A_3, %sub3A_22 : vector<2000x256xf32>
    %mul3A_24 = vector.broadcast %rsqrt3A : vector<1x256xf32> to vector<2000x256xf32>
    %mul3A_25 = arith.mulf %sub3A_23, %mul3A_24 : vector<2000x256xf32>
    %get3A_26 = arith.constant 0 : index
    %get3A_27 = arith.constant 0 : index
    %get3A_28 = arith.constant 0 : index
    %get3A_29 = vector.load %arg4[%get3A_26, %get3A_27, %get3A_28] : memref<1x1x256xf32, #tpu.memory_space<vmem>>, vector<1x1x256xf32>
    %get3A_30 = vector.shape_cast %get3A_29 : vector<1x1x256xf32> to vector<1x256xf32>
    %mul3A_31 = vector.broadcast %get3A_30 : vector<1x256xf32> to vector<2000x256xf32>
    %mul3A_32 = arith.mulf %mul3A_25, %mul3A_31 : vector<2000x256xf32>
    %get3A_33 = arith.constant 0 : index
    %get3A_34 = arith.constant 0 : index
    %get3A_35 = arith.constant 0 : index
    %get3A_36 = vector.load %arg5[%get3A_33, %get3A_34, %get3A_35] : memref<1x1x256xf32, #tpu.memory_space<vmem>>, vector<1x1x256xf32>
    %get3A_37 = vector.shape_cast %get3A_36 : vector<1x1x256xf32> to vector<1x256xf32>
    %add3A_38 = vector.broadcast %get3A_37 : vector<1x256xf32> to vector<2000x256xf32>
    %add3A_39 = arith.addf %mul3A_32, %add3A_38 : vector<2000x256xf32>
    %tanh3A = math.tanh %add3A_39 : vector<2000x256xf32>
    %swap3A = arith.constant 0 : index
    %swap3A_40 = arith.constant 0 : index
    %swap3A_41 = arith.constant 0 : index
    %swap3A_42 = vector.load %arg6[%swap3A, %swap3A_40, %swap3A_41] : memref<1x2000x256xf32, #tpu.memory_space<vmem>>, vector<1x2000x256xf32>
    %swap3A_43 = vector.shape_cast %swap3A_42 : vector<1x2000x256xf32> to vector<2000x256xf32>
    %swap3A_44 = vector.shape_cast %tanh3A : vector<2000x256xf32> to vector<1x2000x256xf32>
    tpu.vector_store %arg6[%swap3A, %swap3A_40, %swap3A_41], %swap3A_44 {strides = array<i32>} : memref<1x2000x256xf32, #tpu.memory_space<vmem>>, vector<1x2000x256xf32>,
    return
  }
  func.func @transform_0(%arg0: i32, %arg1: i32) -> (i32, i32, i32) {
    %c0_i32 = arith.constant 0 : i32
    %c0_i32_0 = arith.constant 0 : i32
    return %arg0, %arg1, %c0_i32 : i32, i32, i32
  }
  func.func @transform_1(%arg0: i32, %arg1: i32) -> (i32, i32, i32) {
    %c0_i32 = arith.constant 0 : i32
    %c0_i32_0 = arith.constant 0 : i32
    %c0_i32_1 = arith.constant 0 : i32
    return %arg0, %c0_i32, %c0_i32_0 : i32, i32, i32
  }
  func.func @transform_2(%arg0: i32, %arg1: i32) -> (i32, i32, i32) {
    %c0_i32 = arith.constant 0 : i32
    %c0_i32_0 = arith.constant 0 : i32
    %c0_i32_1 = arith.constant 0 : i32
    return %arg0, %c0_i32, %c0_i32_0 : i32, i32, i32
  }
  func.func @transform_3(%arg0: i32, %arg1: i32) -> (i32, i32, i32) {
    %c0_i32 = arith.constant 0 : i32
    %c0_i32_0 = arith.constant 0 : i32
    %c0_i32_1 = arith.constant 0 : i32
    return %arg0, %c0_i32, %c0_i32_0 : i32, i32, i32
  }
  func.func @transform_4(%arg0: i32, %arg1: i32) -> (i32, i32, i32) {
    %c0_i32 = arith.constant 0 : i32
    %c0_i32_0 = arith.constant 0 : i32
    return %arg0, %arg1, %c0_i32 : i32, i32, i32
  }
}

module attributes {stable_mosaic.version = 14 : i64} {
  func.func @_score_kernel(%arg0: i32, %arg1: memref<1024x256xf32, #tpu.memory_space<vmem>>, %arg2: memref<1024x256xf32, #tpu.memory_space<vmem>>, %arg3: memref<2048x256xf32, #tpu.memory_space<vmem>>, %arg4: memref<2048x256xf32, #tpu.memory_space<vmem>>, %arg5: memref<1024x2048xf32, #tpu.memory_space<vmem>>) attributes {dimension_semantics = [#tpu.dimension_semantics<arbitrary>], iteration_bounds = array<i64: 5>, scalar_prefetch = 0 : i64, scratch_operands = 0 : i64, tpu.core_type = #tpu.core_type<tc>, window_params = [{pipeline_mode = #tpu.pipeline_mode<synchronous>, transform_indices = @transform_0, window_bounds = array<i64: 1024, 256>}, {pipeline_mode = #tpu.pipeline_mode<synchronous>, transform_indices = @transform_1, window_bounds = array<i64: 1024, 256>}, {transform_indices = @transform_2, window_bounds = array<i64: 2048, 256>}, {transform_indices = @transform_3, window_bounds = array<i64: 2048, 256>}, {transform_indices = @transform_4, window_bounds = array<i64: 1024, 2048>}]} {
    %get3A = arith.constant 0 : index
    %get3A_0 = arith.constant 0 : index
    %get3A_1 = vector.load %arg1[%get3A, %get3A_0] : memref<1024x256xf32, #tpu.memory_space<vmem>>, vector<1024x256xf32>
    %get3A_2 = arith.constant 0 : index
    %get3A_3 = arith.constant 0 : index
    %get3A_4 = vector.load %arg3[%get3A_2, %get3A_3] : memref<2048x256xf32, #tpu.memory_space<vmem>>, vector<2048x256xf32>
    %dot_general3A = arith.constant dense<0.000000e+00> : vector<1024x2048xf32>
    %dot_general3A_5 = tpu.matmul %get3A_1, %get3A_4, %dot_general3A {dimension_numbers = #tpu.dot_dimension_numbers<[1], [1], [0], [0], [0, 0, 1, 0], [], []>, transpose_lhs_hint = false} : vector<1024x256xf32>, vector<2048x256xf32>, vector<1024x2048xf32> -> vector<1024x2048xf32>
    %get3A_6 = arith.constant 0 : index
    %get3A_7 = arith.constant 0 : index
    %get3A_8 = vector.load %arg2[%get3A_6, %get3A_7] : memref<1024x256xf32, #tpu.memory_space<vmem>>, vector<1024x256xf32>
    %get3A_9 = arith.constant 0 : index
    %get3A_10 = arith.constant 0 : index
    %get3A_11 = vector.load %arg4[%get3A_9, %get3A_10] : memref<2048x256xf32, #tpu.memory_space<vmem>>, vector<2048x256xf32>
    %dot_general3A_12 = arith.constant dense<0.000000e+00> : vector<1024x2048xf32>
    %dot_general3A_13 = tpu.matmul %get3A_8, %get3A_11, %dot_general3A_12 {dimension_numbers = #tpu.dot_dimension_numbers<[1], [1], [0], [0], [0, 0, 1, 0], [], []>, transpose_lhs_hint = false} : vector<1024x256xf32>, vector<2048x256xf32>, vector<1024x2048xf32> -> vector<1024x2048xf32>
    %add3A = arith.addf %dot_general3A_5, %dot_general3A_13 : vector<1024x2048xf32>
    %logistic3A = arith.negf %add3A : vector<1024x2048xf32>
    %logistic3A_14 = math.exp %logistic3A : vector<1024x2048xf32>
    %logistic3A_15 = arith.constant 1.000000e+00 : f32
    %logistic3A_16 = vector.broadcast %logistic3A_15 : f32 to vector<1024x2048xf32>
    %logistic3A_17 = arith.addf %logistic3A_16, %logistic3A_14 : vector<1024x2048xf32>
    %logistic3A_18 = arith.divf %logistic3A_16, %logistic3A_17 : vector<1024x2048xf32>
    %swap3A = arith.constant 0 : index
    %swap3A_19 = arith.constant 0 : index
    %swap3A_20 = vector.load %arg5[%swap3A, %swap3A_19] : memref<1024x2048xf32, #tpu.memory_space<vmem>>, vector<1024x2048xf32>
    tpu.vector_store %arg5[%swap3A, %swap3A_19], %logistic3A_18 {strides = array<i32>} : memref<1024x2048xf32, #tpu.memory_space<vmem>>, vector<1024x2048xf32>,
    return
  }
  func.func @transform_0(%arg0: i32) -> (i32, i32) {
    %c0_i32 = arith.constant 0 : i32
    %c0_i32_0 = arith.constant 0 : i32
    %c0_i32_1 = arith.constant 0 : i32
    return %c0_i32, %c0_i32_0 : i32, i32
  }
  func.func @transform_1(%arg0: i32) -> (i32, i32) {
    %c0_i32 = arith.constant 0 : i32
    %c0_i32_0 = arith.constant 0 : i32
    %c0_i32_1 = arith.constant 0 : i32
    return %c0_i32, %c0_i32_0 : i32, i32
  }
  func.func @transform_2(%arg0: i32) -> (i32, i32) {
    %c0_i32 = arith.constant 0 : i32
    %c0_i32_0 = arith.constant 0 : i32
    return %arg0, %c0_i32 : i32, i32
  }
  func.func @transform_3(%arg0: i32) -> (i32, i32) {
    %c0_i32 = arith.constant 0 : i32
    %c0_i32_0 = arith.constant 0 : i32
    return %arg0, %c0_i32 : i32, i32
  }
  func.func @transform_4(%arg0: i32) -> (i32, i32) {
    %c0_i32 = arith.constant 0 : i32
    %c0_i32_0 = arith.constant 0 : i32
    return %c0_i32, %arg0 : i32, i32
  }
}

</mosaic_0001>

<sc_bundles>
// kernel: gather_offload_async_start
scs
__scs_entry_jumppad:
0x0: {  	(pc) =	sbr.rel $0x88, $3  }
0x1: {  	(tag) =	ssettag $0x0;
	lr =	simm.s32 $0x1  }
0x2: {  	[smem:$0x3F8A] =	sst lr;
	_ =	strace $0xD0000000  }
0x3: {  	_ = 	snop  }
0x4: {  	_ = 	snop  }
0x5: {  	_ = 	snop  }
0x6: {  	_ = 	snop  }
0x7: {  	_ = 	snop  }
__scs_overlays_trampoline_lowered:
0x8: {  	[smem:$0x3F99] =	sst s0  }
0x9: {  	[smem:$0x3F9A] =	sst s1  }
0xa: {  	[smem:$0x3F9B] =	sst s2  }
0xb: {  	[smem:$0x3F9C] =	sst s3  }
0xc: {  	[smem:$0x3F9D] =	sst s4  }
0xd: {  	[smem:$0x3F9E] =	sst s5  }
0xe: {  	[smem:$0x3F9F] =	sst s6  }
0xf: {  	[smem:$0x3FA0] =	sst s7  }
0x10: {  	[smem:$0x3FA1] =	sst s8  }
0x11: {  	[smem:$0x3FA2] =	sst s9;
	s0 =	simm.s32 @!p0 $0x0  }
0x12: {  	s1 =	sld [smem:$0x3F88];
	s0 =	simm.s32 @p0 $0x1  }
0x13: {  	[smem:$0x3FA3] =	sst s0;
	s0 =	simm.s32 @!p1 $0x0  }
0x14: {  	s2 =	sld [smem:$0x3F87];
	s0 =	simm.s32 @p1 $0x1  }
0x15: {  	[smem:$0x3FA4] =	sst s0;
	s0 =	simm.s32 @!p2 $0x0  }
0x16: {  	s3 =	sld [smem:$0x3FDB];
	s0 =	simm.s32 @p2 $0x1  }
0x17: {  	s4 =	simm.s32 $0x1BF5;
	[smem:$0x3FA6] =	sst s0  }
0x18: {  	s0 =	sld [smem:$0x3F89];
	_ =	swait.ge [sflag:s4], $0x0  }
0x19: {  	s7 =	sld [smem:$0x3F8A]  }
0x1a: {  	s8 =	sadd.s32 $0xFFFFE003, lr  }
0x1b: {  	s9 =	sadd.s32 $0xFFFFFEF7, lr;
	s5 =	simm.s32 $0xFFFFFFFF;
	p2 =	slt.u32 s8, $0xFFFFF086  }
0x1c: {  	p1 =	slt.u32 s9, $0xF7A;
	s5 =	simm.s32 @!p2 $0x0  }
0x1d: {  	s5 =	simm.s32 @p1 $0x1;
	p0 =	seq.s32 s7, s2  }
0x1e: {  	s7 =	smul.u32 @!p0 $0xF7A, s2;
	p2 =	seq.s32 @!p0 s5, $0x0  }
0x1f: {  	s9 =	smul.u32 $0xF7A, s1;
	s8 =	simm.s32 @!p0 $0x1BF5;
	p2 =	por !p2, p0  }
0x20: {  	[sflag:s8] =	ssyncset.s32 @!p0 $0xFFFFF086;
	s6 =	sadd.s32 @!p0 s3, s7;
	s7 =	simm.s32 @!p0 $0x108  }
0x21: {  	s3 =	sadd.s32 s3, s9;
	s6 =	sadd.s32 @!p0 $0x88, s6;
	s7 =	simm.s32 @p2 $0x1082  }
0x22: {  	[simem:s7], [sflag:s8] =	dma.local @!p0 [hbm:s6], $0xF7A  }
0x23: {  	s9 =	sor.u32 $0xD0000000, s2;
	s6 =	simm.s32 $0x108;
	_ =	swait.ge @!p0 [sflag:s8], $0x0  }
0x24: {  	s3 =	sadd.s32 $0x88, s3;
	s6 =	simm.s32 @!p1 $0x1082;
	[sflag:s4] =	ssyncset.s32 $0xFFFFF086  }
0x25: {  	[simem:s6], [sflag:s4] =	dma.local [hbm:s3], $0xF7A  }
0x26: {  	[smem:$0x3F8A] =	sst s1;
	(tag) =	ssettag s2;
	_ =	strace s9  }
0x27: {  	s1 =	sld [smem:$0x3F9A]  }
0x28: {  	s2 =	sld [smem:$0x3F9B]  }
0x29: {  	s4 =	sld [smem:$0x3F9D]  }
0x2a: {  	p0 =	seq.s32 s5, $0x0;
	s5 =	sld [smem:$0x3F9E]  }
0x2b: {  	s6 =	sld [smem:$0x3F9F]  }
0x2c: {  	s7 =	sld [smem:$0x3FA0]  }
0x2d: {  	s3 =	simm.s32 $0x108;
	s8 =	sld [smem:$0x3FA1]  }
0x2e: {  	s3 =	simm.s32 @!p0 $0x1082;
	s9 =	sld [smem:$0x3FA2]  }
0x2f: {  	lr =	sadd.s32 s0, s3;
	s0 =	sld [smem:$0x3F99]  }
0x30: {  	s3 =	sld [smem:$0x3F9C]  }
0x31: {  	[smem:$0x3FA5] =	sst s10  }
0x32: {  	s10 =	sld [smem:$0x3FA3];
	_ =	sdelay $0x3  }
0x33: {  	p0 =	seq.s32 s10, $0x1;
	s10 =	sld [smem:$0x3FA5];
	_ =	sdelay $0x3  }
0x34: {  	[smem:$0x3FA5] =	sst s10  }
0x35: {  	s10 =	sld [smem:$0x3FA4];
	_ =	sdelay $0x3  }
0x36: {  	p1 =	seq.s32 s10, $0x1;
	s10 =	sld [smem:$0x3FA5];
	_ =	sdelay $0x3  }
0x37: {  	[smem:$0x3FA5] =	sst s10  }
0x38: {  	s10 =	sld [smem:$0x3FA6]  }
0x39: {  	_ = 	snop;
	(pc) =	sbr.ind lr, $3  }
0x3a: {  	_ = 	snop  }
0x3b: {  	_ = 	snop  }
0x3c: {  	p2 =	seq.s32 s10, $0x1;
	s10 =	sld [smem:$0x3FA5]  }
0x3d: {  	_ =	shalt  }
0x3e: {  	_ =	shalt  }
0x3f: {  	_ =	shalt  }
0x40: {  	_ =	shalt  }
0x41: {  	_ =	shalt  }
0x42: {  	_ =	shalt  }
0x43: {  	_ =	shalt  }
0x44: {  	_ =	shalt  }
0x45: {  	_ =	shalt  }
0x46: {  	_ =	shalt  }
0x47: {  	_ =	shalt  }
0x48: {  	_ =	shalt  }
0x49: {  	_ =	shalt  }
0x4a: {  	_ =	shalt  }
0x4b: {  	_ =	shalt  }
0x4c: {  	_ =	shalt  }
0x4d: {  	_ =	shalt  }
0x4e: {  	_ =	shalt  }
0x4f: {  	_ =	shalt  }
0x50: {  	_ =	shalt  }
0x51: {  	_ =	shalt  }
0x52: {  	_ =	shalt  }
0x53: {  	_ =	shalt  }
0x54: {  	_ =	shalt  }
0x55: {  	_ =	shalt  }
0x56: {  	_ =	shalt  }
0x57: {  	_ =	shalt  }
0x58: {  	_ =	shalt  }
0x59: {  	_ =	shalt  }
0x5a: {  	_ =	shalt  }
0x5b: {  	_ =	shalt  }
0x5c: {  	_ =	shalt  }
0x5d: {  	_ =	shalt  }
0x5e: {  	_ =	shalt  }
0x5f: {  	_ =	shalt  }
0x60: {  	_ =	shalt  }
0x61: {  	_ =	shalt  }
0x62: {  	_ =	shalt  }
0x63: {  	_ =	shalt  }
0x64: {  	_ =	shalt  }
0x65: {  	_ =	shalt  }
0x66: {  	_ =	shalt  }
0x67: {  	_ =	shalt  }
0x68: {  	_ =	shalt  }
0x69: {  	_ =	shalt  }
0x6a: {  	_ =	shalt  }
0x6b: {  	_ =	shalt  }
0x6c: {  	_ =	shalt  }
0x6d: {  	_ =	shalt  }
0x6e: {  	_ =	shalt  }
0x6f: {  	_ =	shalt  }
0x70: {  	_ =	shalt  }
0x71: {  	_ =	shalt  }
0x72: {  	_ =	shalt  }
0x73: {  	_ =	shalt  }
0x74: {  	_ =	shalt  }
0x75: {  	_ =	shalt  }
0x76: {  	_ =	shalt  }
0x77: {  	_ =	shalt  }
0x78: {  	_ =	shalt  }
0x79: {  	_ =	shalt  }
0x7a: {  	_ =	shalt  }
0x7b: {  	_ =	shalt  }
0x7c: {  	_ =	shalt  }
0x7d: {  	_ =	shalt  }
0x7e: {  	_ =	shalt  }
0x7f: {  	_ =	shalt  }
0x80: {  	_ =	shalt  }
0x81: {  	_ =	shalt  }
0x82: {  	_ =	shalt  }
0x83: {  	_ =	shalt  }
0x84: {  	_ =	shalt  }
0x85: {  	_ =	shalt  }
0x86: {  	_ =	shalt  }
0x87: {  	_ =	shalt  }
.Lfunc_end0:
.L_simem_size_0:
called_computation_lowered:
.L_overlay_start_0:
0x88: {  	s0 =	sld [smem:$0x3FD9]  }
0x89: {  	s1 =	sld [smem:$0x3FFE];
	_ =	sdelay $0x3  }
0x8a: {  	s0 =	sadd.s32 s1, s0  }
0x8b: {  	[smem:$0x3FB1] =	sst s0  }
0x8c: {  	_ = 	snop  }
0x8d: {  	s0 =	sld [smem:$0x3FC5]  }
0x8e: {  	s16 =	sld [smem:$0x3FD0];
	(tm) =	ssettm $0x1  }
0x8f: {  	s2 =	sld [smem:$0x3FFB];
	_ =	sdelay $0x3  }
0x90: {  	_ =	strace s2  }
0x91: {  	s2 =	sld [smem:$0x3FFC];
	_ =	sdelay $0x3  }
0x92: {  	_ =	strace s2  }
0x93: {  	s2 =	sld [smem:$0x3FFD];
	_ =	sdelay $0x3  }
0x94: {  	_ =	strace s2  }
0x95: {  	_ =	strace $0x8FFFFFFF  }
0x96: {  	s17 =	sld [smem:$0x3FDB];
	_ =	sdelay $0x1  }
0x97: {  	s3 =	simm.s32 $_scs_section_size  }
0x98: {  	s4 =	simm.s32 $_size__tile_overlayer_lowered;
	s5 =	simm.s32 $_tile_overlayer_lowered  }
0x99: {  	s20 =	simm.s32 $0x1BFF;
	s19 =	sshll.u32 s5, $0x1;
	s2 =	sadd.s32 s3, s17  }
0x9a: {  	s6 =	simm.s32 $0x0;
	s18 =	sshll.u32 s4, $0x1;
	s4 =	sadd.s32 s19, s2  }
0x9b: {  	[timem:s6], [sflag:s20] =	dma.local [hbm:s4], s18  }
0x9c: {  	_ =	swait.ge [sflag:s20], s18  }
0x9d: {  	s3 =	ssub.s32 $0x0, s18;
	[sflag:s20] =	ssyncset.done $0x0  }
0x9e: {  	[sflag:s20] =	ssyncadd.s32 s3;
	_ =	sdelay $0x1  }
0x9f: {  	s21 =	simm.s32 $0x1B8B  }
0xa0: {  	_ =	swait.ge [sflag:s21], $0x1  }
0xa1: {  	[sflag:s21] =	ssyncset.done $0x0  }
0xa2: {  	s23 =	simm.s32 $0x1B8E;
	s22 =	sld [smem:$0x3FFE];
	[sflag:s21] =	ssyncadd.s32 $0xFFFFFFFF  }
0xa3: {  	s24 =	simm.s32 $execute0_lowered;
	[smem:$0x3FD2] =	sst s23  }
0xa4: {  	s4 =	sshll.u32 s24, $0x1;
	_ =	strace $0x80000046;
	[dreg:$0x1] =	wrdreg $0xFFFFFFFF  }
0xa5: {  	s25 =	simm.s32 $_size_execute0_lowered;
	s2 =	sadd.s32 s2, s4;
	[dreg:$0x0] =	wrdreg $0x0  }
0xa6: {  	s4 =	sshll.u32 s25, $0x1;
	[dreg:$0x2] =	wrdreg s2  }
0xa7: {  	[dreg:$0x3] =	wrdreg s4  }
0xa8: {  	[dreg:$0x4] =	wrdreg $0xC0  }
0xa9: {  	_ =	task [dreg:s6], $0x5FFFF  }
0xaa: {  	[dreg:$0x1] =	wrdreg $0xFFFFFFFF  }
0xab: {  	[dreg:$0x0] =	wrdreg $0x60  }
0xac: {  	[dreg:$0x2] =	wrdreg s0  }
0xad: {  	[dreg:$0x3] =	wrdreg s16  }
0xae: {  	[dreg:$0x4] =	wrdreg s22  }
0xaf: {  	[dreg:$0x5] =	wrdreg $0x9  }
0xb0: {  	_ =	task.clear_ibuf [dreg:s6], $0x6FFFF;
	_ =	strace $0x90000046  }
0xb1: {  	s26 =	simm.s32 $0x9;
	_ =	strace $0x80000048  }
0xb2: {  	_ =	swait.ge [sflag:s26], $0x1  }
0xb3: {  	[sflag:s26] =	ssyncadd.s32 $0xFFFFFFFF  }
0xb4: {  	_ =	strace $0x90000048  }
0xb5: {  	_ =	sfence  }
0xb6: {  	s28 =	sld [smem:$0x0];
	_ =	sdelay $0x1  }
0xb7: {  	s29 =	srdreg.scid  }
0xb8: {  	s30 =	sshll.u32 s29, $0xD;
	s31 =	sshrl.u32 s29, $0x2  }
0xb9: {  	s1 =	sand.u32 $0x1, s29;
	s2 =	sand.u32 $0x4000, s30;
	s0 =	sadd.s32 s31, s28  }
0xba: {  	s1 =	sor.u32 s2, s1;
	s0 =	sshll.u32 s0, $0x11  }
0xbb: {  	s0 =	sor.u32 s0, s1  }
0xbc: {  	s0 =	sadd.s32 $0x8F2B, s0  }
0xbd: {  	[sflag:s0] =	ssyncadd.remote.s32 $0x1  }
0xbe: {  	_ =	sfence.sel $0xFFFF  }
0xbf: {  	[dreg:$0x0] =	wrdreg $0xFFFFFFFF;
	(pc) =	sbr.abs _section_cstart, $3  }
0xc0: {  	[dreg:$0x1] =	wrdreg $0xFFFFFFFF  }
0xc1: {  	_ =	task.clear_ibuf [dreg:s6], $0x2FFFF;
	_ =	strace $0x9FFFFFFF  }
0xc2: {  	(tm) =	ssettm $0x7FFFFFFF  }
0xc3: {  	_ =	shalt  }
tec
execute0_lowered:
.L_overlay_start_1:
0x0: {  	(tag) =	ssettag $0x1  }
0x1: {  	s0 =	stileid.u32  }
0x2: {  	s1 =	smul.u32 $0xF, s0  }
0x3: {  	s2 =	smin.u32 s0, $0xA  }
0x4: {  	s1 =	sadd.s32 s2, s1  }
0x5: {  	p0 =	slt.u32 s0, $0xA;
	s2 =	simm.s32 $0xC80;
	s1 =	smul.u32 $0xC8, s1  }
0x6: {  	s2 =	simm.s32 @!p0 $0xBB8  }
0x7: {  	s2 =	sadd.s32 s2, s1  }
0x8: {  	s3 =	smin.u32 s2, $0xC350  }
0x9: {  	s7 =	ssub.s32 s3, s1  }
0xa: {  	p0 =	sgt.s32 s7, $0x0  }
0xb: {  	s7 =	simm.s32 @!p0 $0x0  }
0xc: {  	s31 =	sand.u32 $0xFFF8, s7  }
0xd: {  	s4 =	rddreg [dreg:$0x0];
	s2 =	sshrl.u32 s31, $0x3  }
0xe: {  	s5 =	rddreg [dreg:$0x1];
	s2 =	smul.u32 $0x147B, s2  }
0xf: {  	s9 =	rddreg [dreg:$0x2]  }
0x10: {  	s6 =	simm.s32 $0x1;
	s11 =	simm.s32 $0x3;
	s8 =	sshrl.u32 s2, $0x11  }
0x11: {  	s13 =	simm.s32 $0x0;
	s12 =	simm.s32 $0x0;
	s10 =	smul.u32 $0xC8, s8  }
.Ltmp0:
0x12: {  	s9 =	sadd.s32 $0x6200, s9;
	s2 =	rddreg [dreg:$0x3];
	(pc) =	sbr.rel .LBB2_1-.Ltmp0, $4  }
0x13: {  	_ =	strace $0x80000047;
	p0 =	sne.s32 s7, s10;
	s10 =	simm.s32 $0x1  }
0x14: {  	[sflag:s6] =	ssyncpa.u1 $0x0;
	s7 =	simm.s32 $0x2;
	s10 =	simm.s32 @!p0 $0x0  }
0x15: {  	[sflag:s7] =	ssyncpa.u1 $0x0;
	p0 =	por $0x0, $0x0;
	s8 =	sadd.s32 s8, s10  }
0x16: {  	vm0 =	vmmov $0xff;
	vm1 =	vcmask $0x3F20;
	[sflag:s11] =	ssyncpa.u1 $0x0;
	s11 =	smov.u32 s1;
	s10 =	sadd.s32 $0x1, s8  }
.LBB2_10:
0x17: {  	[hbm:s17] =	stream.linear.scatter [tilespmem:s14], [sflag:$0x3], $0x800, $0x38;
	[tilespmem:$0x19190] =	vst v63  }
.LBB2_11:
0x18: {  	s13 =	sadd.s32 $0xC8, s11  }
0x19: {  	s15 =	smov.u32 s1;
	p2 =	slt.s32 s13, s3  }
0x1a: {  	s15 =	smov.u32 @p2 s13;
	p2 =	sne.s32 s12, s10  }
.Ltmp1:
0x1b: {  	p1 =	slt.u32 s12, $0x2;
	(pc) =	sbr.rel @!p2 .LBB2_12-.Ltmp1, $4  }
0x1c: {  	s14 =	simm.s32 @!p1 $0x3  }
0x1d: {  	s16 =	sadd.s32 $0x1, s12;
	_ =	swait.ge @!p1 [sflag:s14], $0xC800  }
0x1e: {  	p0 =	por !p0, !p0;
	s13 =	smov.u32 s11;
	[sflag:s14] =	ssyncset.done @!p1 $0x0  }
0x1f: {  	s12 =	smov.u32 s16;
	s11 =	smov.u32 s15;
	[sflag:s14] =	ssyncadd.s32 @!p1 $0xFFFF3800  }
.LBB2_1:
0x20: {  	p1 =	sge.u32 s12, s8  }
0x21: {  	s14 =	sxor.u32 @!p1 $0xFFFFFFFF, s12  }
0x22: {  	s14 =	sand.u32 @!p1 $0x1, s14  }
0x23: {  	s14 =	smul.u32 @!p1 $0x320, s14  }
0x24: {  	s31 =	sadd.s32 $0xFFFFFFFF, s12;
	s15 =	sshrl.u32 @!p1 s11, $0x3  }
0x25: {  	s16 =	sand.u32 @!p1 $0x7, s11;
	s15 =	sadd.s32 @!p1 s5, s15;
	s14 =	sshrl.u32 @!p1 s14, $0x2  }
0x26: {  	[tilespmem:s14], [sflag:$0x2] =	stream.linear.gather @!p1 [hbm4b:s15+s16], $0xC8, $0x38;
	[tilespmem:$0x19190] =	vst v63  }
0x27: {  	p1 =	sge.u32 s31, s8  }
.Ltmp2:
0x28: {  	_ = 	snop;
	(pc) =	sbr.rel @p1 .LBB2_11-.Ltmp2, $1  }
0x29: {  	_ =	sdelay $0x3  }
0x2a: {  	s15 =	sand.u32 $0x1, s12  }
0x2b: {  	s14 =	simm.s32 $0x1;
	s16 =	smul.u32 $0x32000, s15  }
0x2c: {  	_ =	swait.ge [sflag:s7], $0xC8;
	s14 =	simm.s32 @!p0 $0x0;
	s15 =	smul.u32 $0x320, s15  }
0x2d: {  	[sflag:s7] =	ssyncset.done $0x0;
	s14 =	smul.u32 $0x32000, s14  }
0x2e: {  	[sflag:s7] =	ssyncadd.s32 $0xFFFFFF38  }
0x2f: {  	s17 =	sshrl.u32 s16, $0x2;
	s16 =	sshrl.u32 s15, $0x2;
	s14 =	sshrl.u32 s14, $0x2  }
0x30: {  	s15 =	sor.u32 $0x190, s17;
	s17 =	simm.s32 $0x0;
	s14 =	sor.u32 $0x190, s14  }
.LBB2_3:
0x31: {  	s18 =	sshll.u32 s17, $0x4  }
0x32: {  	s18 =	sand.u32 $0x3FFFFFF0, s18  }
0x33: {  	s18 =	sadd.s32 s18, s16  }
0x34: {  	v0 =	vld.msk [tilespmem:s18+$0x0 ss:$0x1], $0xffff;
	_ =	sdelay $0x4  }
0x35: {  	vm2 =	vgt.s32 v0, $0x0  }
0x36: {  	v0 =	vnsel vm2, $0x0, v0  }
0x37: {  	v0 =	vmin.u32 v0, $0x752F  }
0x38: {  	s31 =	sshll.u32 s17, $0xC;
	v1 =	vshll.u32 v0, $0x5;
	v0 =	vshll.u32 v0, $0x4  }
0x39: {  	s18 =	sand.u32 $0x3FFFF000, s31;
	v1 =	vand.u32 $0xFFF00, v1;
	v0 =	vand.u32 $0x70, v0  }
0x3a: {  	p1 =	por $0x1, $0x1;
	s19 =	simm.s32 $0x0;
	s18 =	sadd.s32 s18, s15;
	v0 =	vor.u32 v0, v1  }
.LBB2_4:
0x3b: {  	_ =	sdelay $0x1  }
0x3c: {  	s19 =	sshra.s32 s19, $0x2;
	p2 =	por p1, p1  }
.Ltmp3:
0x3d: {  	s19 =	sadd.s32 s19, s18;
	(pc) =	sbr.rel @p2 .LBB2_4-.Ltmp3, $4  }
0x3e: {  	[tilespmem:s19], [sflag:$0x1] =	stream.indirect_vreg.gather [hbm:s4], $0x80, v0, vm0, $0x38;
	[tilespmem:$0x19190] =	vst v63  }
0x3f: {  	s19 =	sadd.s32 $0x800, s19  }
0x40: {  	[tilespmem:s19], [sflag:$0x1] =	stream.indirect_vreg.gather [hbm:s4], $0x80, v0, vm1, $0x38;
	[tilespmem:$0x19190] =	vst v63  }
0x41: {  	p1 =	por $0x0, $0x0;
	v0 =	vadd.s32 $0x80, v0;
	s19 =	simm.s32 $0x1000  }
0x42: {  	s17 =	sadd.s32 $0x1, s17  }
0x43: {  	p1 =	sne.s32 s17, $0xC  }
.Ltmp4:
0x44: {  	_ = 	snop;
	(pc) =	sbr.rel @p1 .LBB2_3-.Ltmp4, $1  }
0x45: {  	_ =	sdelay $0x3  }
0x46: {  	v0 =	vld.msk [tilespmem:s16+$0xC0 ss:$0x1], $0xff;
	_ =	sdelay $0x4  }
0x47: {  	vm2 =	vgt.s32 v0, $0x0  }
0x48: {  	v0 =	vnsel vm2, $0x0, v0  }
0x49: {  	v0 =	vmin.u32 v0, $0x752F  }
0x4a: {  	v1 =	vshll.u32 v0, $0x5;
	v0 =	vshll.u32 v0, $0x4  }
0x4b: {  	v1 =	vand.u32 $0xFFF00, v1;
	v0 =	vand.u32 $0x70, v0  }
0x4c: {  	s16 =	simm.s32 $0x0;
	p1 =	por $0x1, $0x1;
	v0 =	vor.u32 v0, v1  }
.LBB2_7:
0x4d: {  	p2 =	por p1, p1  }
.Ltmp5:
0x4e: {  	s16 =	sshra.s32 s16, $0x2;
	(pc) =	sbr.rel @p2 .LBB2_7-.Ltmp5, $4  }
0x4f: {  	s16 =	sadd.s32 s16, s15  }
0x50: {  	s16 =	sadd.s32 $0xC000, s16  }
0x51: {  	[tilespmem:s16], [sflag:$0x1] =	stream.indirect_vreg.gather [hbm:s4], $0x80, v0, vm0, $0x38;
	[tilespmem:$0x19190] =	vst v63  }
0x52: {  	p1 =	por $0x0, $0x0;
	v0 =	vadd.s32 $0x80, v0;
	s16 =	simm.s32 $0x1000  }
0x53: {  	s15 =	sshll.u32 s13, $0x5  }
0x54: {  	s31 =	sshll.u32 s13, $0x4;
	s15 =	sand.u32 $0xFFFFFF00, s15  }
0x55: {  	_ =	swait.ge [sflag:s6], $0xC800;
	s13 =	sand.u32 $0x70, s31;
	s15 =	sadd.s32 s15, s9  }
0x56: {  	s16 =	sadd.s32 $0x800, s14;
	[sflag:s6] =	ssyncset.done $0x0;
	s13 =	sadd.s32 s13, s15  }
0x57: {  	[sflag:s6] =	ssyncadd.s32 $0xFFFF3800;
	s15 =	simm.s32 $0x100;
	s17 =	sadd.s32 $0x0, s13  }
.LBB2_9:
0x58: {  	[hbm:s17] =	stream.linear.scatter [tilespmem:s14], [sflag:$0x3], $0x800, $0x38;
	[tilespmem:$0x19190] =	vst v63  }
0x59: {  	s17 =	smov.u32 s15;
	s14 =	smov.u32 s16;
	p1 =	sne.s32 s15, $0x1800  }
.Ltmp6:
0x5a: {  	s15 =	sadd.s32 $0x100, s15;
	(pc) =	sbr.rel @p1 .LBB2_9-.Ltmp6, $2  }
0x5b: {  	_ =	sdelay $0x2  }
0x5c: {  	s16 =	sadd.s32 $0x800, s16;
	s17 =	sadd.s32 s17, s13  }
.Ltmp7:
0x5d: {  	_ = 	snop;
	(pc) =	sbr.rel .LBB2_10-.Ltmp7, $1  }
0x5e: {  	_ =	sdelay $0x3  }
.LBB2_12:
0x5f: {  	_ =	sfence.sel $0x180000  }
0x60: {  	s1 =	simm.s32 $0x2;
	[bflag:$0x0] =	sbarrier.arrive $0xFFFF  }
0x61: {  	s30 =	simm.s32 $0x3;
	[sflag:s1] =	ssyncpa.u1 $0x1  }
0x62: {  	s31 =	simm.s32 $0x1;
	[sflag:s30] =	ssyncpa.u1 $0x1  }
0x63: {  	[sflag:s31] =	ssyncpa.u1 $0x1  }
0x64: {  	p0 =	sne.s32 s0, $0x0;
	_ =	strace $0x90000047  }
0x65: {  	s0 =	sadd.s32 @!p0 $0x100000, s2;
	[bflag:$0x2] =	sbarrier.arrive $0xFFFF  }
0x66: {  	[sflag:s0] =	ssyncadd.tile.s32 @!p0 $0x1;
	_ =	shalt  }
.Lfunc_end2:
_tile_overlayer_lowered:
.L_overlay_start_2:
0x67: {  	(tag) =	ssettag $0x2  }
0x68: {  	s0 =	rddreg [dreg:$0x0];
	s2 =	stileid.u32  }
0x69: {  	s1 =	rddreg [dreg:$0x1];
	p0 =	sne.s32 s2, $0x0  }
0x6a: {  	s3 =	rddreg [dreg:$0x2];
	[bflag:$0x3] =	sbarrier.arrive $0xFFFF;
	s2 =	simm.s32 @!p0 $0x1C01  }
0x6b: {  	[timem:s3], [sflag:s2] =	dma.local @!p0 [hbm:s0], s1  }
0x6c: {  	s0 =	simm.s32 @!p0 $0x1  }
0x6d: {  	_ =	swait.ge @!p0 [sflag:s0], s1  }
0x6e: {  	s1 =	ssub.s32 @!p0 $0x0, s1;
	[sflag:s0] =	ssyncset.done @!p0 $0x0  }
0x6f: {  	[sflag:s0] =	ssyncadd.s32 @!p0 s1  }
0x70: {  	[bflag:$0x3] =	sbarrier.arrive $0xFFFF  }
0x71: {  	_ =	shalt  }

</sc_bundles>
